<compile_context>
chip_gen: v7x
topology: tpu7x:2x2x1
jax: 0.10.2.dev20260603
libtpu: 0.0.44.dev20260713+nightly
codegen_flags: <defaults>
</compile_context>

<pallas_src>
import functools

import jax
import jax.numpy as jnp
from jax import lax
from jax.experimental import pallas as pl
from jax.experimental.pallas import tpu as pltpu
from jax.experimental.pallas import tpu_sc as plsc


def _emb_gather(emb, idx_flat):
    info = plsc.get_sparse_core_info()
    nw = info.num_cores * info.num_subcores
    t = idx_flat.shape[0]
    d = emb.shape[1]
    b_per_w = t // nw
    mesh = plsc.VectorSubcoreMesh(core_axis_name="c", subcore_axis_name="s")

    @functools.partial(
        pl.kernel, mesh=mesh,
        out_type=jax.ShapeDtypeStruct((t, d), jnp.float32),
        scratch_types=[
            pltpu.VMEM((b_per_w,), jnp.int32),
            pltpu.VMEM((b_per_w, d), jnp.float32),
            pltpu.SemaphoreType.DMA,
        ],
    )
    def gather_k(table_hbm, idx_hbm, out_hbm, idx_v, rows_v, sem):
        wid = lax.axis_index("s") * info.num_cores + lax.axis_index("c")
        base = wid * b_per_w
        pltpu.sync_copy(idx_hbm.at[pl.ds(base, b_per_w)], idx_v)
        pltpu.async_copy(table_hbm.at[idx_v], rows_v, sem).wait()
        pltpu.sync_copy(rows_v, out_hbm.at[pl.ds(base, b_per_w)])

    return gather_k(emb, idx_flat)


def _moe_body(n_tb, tb_sz, t_total, h_ref, wg_ref, w1_ref, w2_ref, y_ref,
              aux_ref, gate_s, acc_s):
    e = pl.program_id(0)
    tb = pl.program_id(1)
    num_e = gate_s.shape[1]
    base = tb * tb_sz

    @pl.when(jnp.logical_and(tb == 0, e == 0))
    def _init():
        acc_s[...] = jnp.zeros_like(acc_s)

    @pl.when(e == 0)
    def _gate():
        hb = h_ref[pl.ds(base, tb_sz), :]
        logits = jnp.dot(hb.astype(jnp.bfloat16), wg_ref[...].astype(jnp.bfloat16), preferred_element_type=jnp.float32)
        m = jnp.max(logits, axis=1, keepdims=True)
        ex = jnp.exp(logits - m)
        gates = ex / jnp.sum(ex, axis=1, keepdims=True)
        lane = lax.broadcasted_iota(jnp.int32, (tb_sz, num_e), 1)
        v1 = jnp.max(gates, axis=1, keepdims=True)
        idx1 = jnp.min(jnp.where(gates == v1, lane, num_e), axis=1,
                       keepdims=True)
        g2 = jnp.where(lane == idx1, -jnp.inf, gates)
        v2 = jnp.max(g2, axis=1, keepdims=True)
        idx2 = jnp.min(jnp.where(g2 == v2, lane, num_e), axis=1,
                       keepdims=True)
        denom = v1 + v2 + 1e-9
        gate_s[pl.ds(base, tb_sz), :] = jnp.where(
            lane == idx1, v1 / denom,
            jnp.where(lane == idx2, v2 / denom, 0.0))
        onehot1 = (lane == idx1).astype(jnp.float32)
        acc_s[0:1, 0:num_e] += jnp.sum(onehot1, axis=0, keepdims=True)
        acc_s[1:2, 0:num_e] += jnp.sum(gates, axis=0, keepdims=True)

    hb = h_ref[pl.ds(base, tb_sz), :]
    hid = jnp.maximum(
        jnp.dot(hb.astype(jnp.bfloat16), w1_ref[0].astype(jnp.bfloat16),
                preferred_element_type=jnp.float32), 0.0)
    out_e = jnp.dot(hid.astype(jnp.bfloat16), w2_ref[0].astype(jnp.bfloat16),
                    preferred_element_type=jnp.float32)
    lane = lax.broadcasted_iota(jnp.int32, (tb_sz, num_e), 1)
    ge = jnp.sum(jnp.where(lane == e, gate_s[pl.ds(base, tb_sz), :], 0.0),
                 axis=1, keepdims=True)
    contrib = (ge.astype(jnp.bfloat16).astype(jnp.float32)
               * out_e.astype(jnp.bfloat16).astype(jnp.float32))

    @pl.when(e == 0)
    def _first():
        y_ref[pl.ds(base, tb_sz), :] = contrib

    @pl.when(e != 0)
    def _rest():
        y_ref[pl.ds(base, tb_sz), :] += contrib

    @pl.when(jnp.logical_and(tb == n_tb - 1, e == num_e - 1))
    def _aux():
        cnt = acc_s[0:1, 0:num_e]
        gsum = acc_s[1:2, 0:num_e]
        total = jnp.sum(cnt * gsum, axis=1, keepdims=True)
        aux_ref[...] = total * (num_e / (t_total * t_total))


def _moe_layer(h, wg, w1, w2):
    t, d = h.shape
    num_e = wg.shape[1]
    hd = w1.shape[2]
    tb_sz = 1024
    n_tb = t // tb_sz
    y, aux = pl.pallas_call(
        functools.partial(_moe_body, n_tb, tb_sz, t),
        grid=(num_e, n_tb),
        in_specs=[
            pl.BlockSpec((t, d), lambda e, tb: (0, 0)),
            pl.BlockSpec((d, num_e), lambda e, tb: (0, 0)),
            pl.BlockSpec((1, d, hd), lambda e, tb: (e, 0, 0)),
            pl.BlockSpec((1, hd, d), lambda e, tb: (e, 0, 0)),
        ],
        out_specs=[
            pl.BlockSpec((t, d), lambda e, tb: (0, 0)),
            pl.BlockSpec((1, 1), lambda e, tb: (0, 0)),
        ],
        out_shape=[
            jax.ShapeDtypeStruct((t, d), jnp.float32),
            jax.ShapeDtypeStruct((1, 1), jnp.float32),
        ],
        scratch_shapes=[
            pltpu.VMEM((t, num_e), jnp.float32),
            pltpu.VMEM((8, 128), jnp.float32),
        ],
    )(h, wg, w1, w2)
    return y, aux


def _mlm_body(tchunks, h_ref, wt_ref, b_ref, out_ref):
    vb = wt_ref.shape[0]
    lt = lax.dot_general(
        wt_ref[...].astype(jnp.bfloat16), h_ref[...].astype(jnp.bfloat16),
        ((( 1,), (1,)), ((), ())), preferred_element_type=jnp.float32)
    lt = lt + b_ref[...]
    out_ref[...] = lt.reshape(vb * tchunks, 128)


def _mlm_head(h, mlm_w, mlm_b):
    t, d = h.shape
    v = mlm_w.shape[1]
    vb = 1024
    n_vb = pl.cdiv(v, vb)
    tchunks = t // 128
    wt = mlm_w.T
    b2 = mlm_b.reshape(v, 1)
    out = pl.pallas_call(
        functools.partial(_mlm_body, tchunks),
        grid=(n_vb,),
        in_specs=[
            pl.BlockSpec((t, d), lambda i: (0, 0)),
            pl.BlockSpec((vb, d), lambda i: (i, 0)),
            pl.BlockSpec((vb, 1), lambda i: (i, 0)),
        ],
        out_specs=pl.BlockSpec((vb * tchunks, 128), lambda i: (i, 0)),
        out_shape=jax.ShapeDtypeStruct((v * tchunks, 128), jnp.float32),
    )(h, wt, b2)
    return out.reshape(v, tchunks, 128).transpose(1, 2, 0).reshape(t, v)


def kernel(x, emb, moe1_wg, moe1_w1, moe1_w2, moe2_wg, moe2_w1, moe2_w2,
           mlm_w, mlm_b):
    b, s = x.shape
    h = _emb_gather(emb, x.reshape(-1))
    h, aux1 = _moe_layer(h, moe1_wg, moe1_w1, moe1_w2)
    h, aux2 = _moe_layer(h, moe2_wg, moe2_w1, moe2_w2)
    logits = _mlm_head(h, mlm_w, mlm_b)
    aux = (aux1 + aux2).reshape(())
    return logits.reshape(b, s, -1), aux

# --- scband reference (transcript-rebuilt; emitter-appended) ---
"""Pipeline reference for scband-embedding-mo-e-2886218023430 (READ-ONLY COPY).

The authoritative reference and input builder live on the scoring server;
editing this copy changes nothing except your own understanding.
"""

import jax, jax.numpy as jnp
import numpy as np

VOCAB = 30522
DIM = 512
HIDDEN = DIM * 4
E = 4
B, S = 1, 2048


def setup_inputs(seed: int = 0) -> dict:
    key = jax.random.key(seed)
    ks = jax.random.split(key, 10)
    x = jax.random.randint(ks[0], (B, S), 0, VOCAB, dtype=jnp.int64 if jax.config.jax_enable_x64 else jnp.int32).astype(jnp.int32)
    emb = jax.random.normal(ks[1], (VOCAB, DIM), dtype=jnp.float32) * 0.02
    moe1_wg = jax.random.normal(ks[2], (DIM, E), dtype=jnp.float32) * 0.02
    moe1_w1 = jax.random.normal(ks[3], (E, DIM, HIDDEN), dtype=jnp.float32) * 0.02
    moe1_w2 = jax.random.normal(ks[4], (E, HIDDEN, DIM), dtype=jnp.float32) * 0.02
    moe2_wg = jax.random.normal(ks[5], (DIM, E), dtype=jnp.float32) * 0.02
    moe2_w1 = jax.random.normal(ks[6], (E, DIM, HIDDEN), dtype=jnp.float32) * 0.02
    moe2_w2 = jax.random.normal(ks[7], (E, HIDDEN, DIM), dtype=jnp.float32) * 0.02
    mlm_w = jax.random.normal(ks[8], (DIM, VOCAB), dtype=jnp.float32) * 0.02
    mlm_b = jnp.zeros((VOCAB,), dtype=jnp.float32)
    return {"x": x, "emb": emb, "moe1_wg": moe1_wg, "moe1_w1": moe1_w1, "moe1_w2": moe1_w2,
            "moe2_wg": moe2_wg, "moe2_w1": moe2_w1, "moe2_w2": moe2_w2, "mlm_w": mlm_w, "mlm_b": mlm_b}


def _top2_moe(h, w_gate, w1, w2):
    # h: [T, d]. Top-2 gated mixture-of-experts with load-balancing aux loss.
    T, d = h.shape
    num_e = w_gate.shape[1]
    logits = h @ w_gate                      # [T, E]
    gates = jax.nn.softmax(logits, axis=-1)  # [T, E]
    top2_vals, top2_idx = jax.lax.top_k(gates, 2)
    denom = jnp.sum(top2_vals, axis=-1, keepdims=True) + 1e-9
    top2_w = top2_vals / denom               # renormalized top-2 weights
    gate_full = jnp.zeros((T, num_e), dtype=h.dtype).at[jnp.arange(T)[:, None], top2_idx].set(top2_w)
    # dense expert compute (ReLU FFN per expert), combined by gate weights
    hidden = jax.nn.relu(jnp.einsum('td,edh->eth', h, w1))
    expert_out = jnp.einsum('eth,ehd->etd', hidden, w2)
    y = jnp.einsum('te,etd->td', gate_full, expert_out)
    # aux load-balancing loss
    density = jnp.mean(jax.nn.one_hot(top2_idx[:, 0], num_e, dtype=h.dtype), axis=0)
    density_proxy = jnp.mean(gates, axis=0)
    aux = jnp.mean(density * density_proxy) * (num_e * num_e)
    return y, aux


def reference(x, emb, moe1_wg, moe1_w1, moe1_w2, moe2_wg, moe2_w1, moe2_w2, mlm_w, mlm_b):
    b, s = x.shape
    h = jnp.take(emb, x.reshape(-1), axis=0)            # [B*S, d] embedding gather
    h, aux1 = _top2_moe(h, moe1_wg, moe1_w1, moe1_w2)
    h, aux2 = _top2_moe(h, moe2_wg, moe2_w1, moe2_w2)
    logits = h @ mlm_w + mlm_b                           # [B*S, vocab]
    return logits.reshape(b, s, -1), aux1 + aux2


if False:  # reference __main__ guard neutralized (emitter)
    out = reference(**setup_inputs())
    print(out[0].shape, out[1])

if __name__ == "__main__":
    import jax
    _d = setup_inputs()
    print(jax.jit(kernel)(*tuple(_d.values())))

</pallas_src>

<mosaic_0001>
#map = affine_map<(d0, d1) -> (0, 0)>
#map1 = affine_map<(d0, d1) -> (0)>
module attributes {stable_mosaic.version = 14 : i64} {
  func.func @gather_k(%arg0: i32, %arg1: i32, %arg2: memref<30522x512xf32, #tpu.memory_space<hbm>>, %arg3: memref<2048xi32, #tpu.memory_space<hbm>>, %arg4: memref<2048x512xf32, #tpu.memory_space<hbm>>, %arg5: memref<64xi32, #tpu.memory_space<vmem>>, %arg6: memref<64x512xf32, #tpu.memory_space<vmem>>, %arg7: memref<!tpu.dma_semaphore, #tpu.memory_space<semaphore_mem>>) attributes {dimension_semantics = [#tpu.dimension_semantics<core_parallel>, #tpu.dimension_semantics<subcore_parallel>], iteration_bounds = array<i64: 2, 16>, scalar_prefetch = 0 : i64, scratch_operands = 3 : i64, tpu.core_type = #tpu.core_type<sc_vector_subcore>, window_params = [{transform_indices = #map}, {transform_indices = #map1}, {transform_indices = #map}]} {
    %mul3A = arith.constant 2 : i32
    %mul3A_0 = arith.muli %arg1, %mul3A : i32
    %add3A = arith.addi %mul3A_0, %arg0 : i32
    %mul3A_1 = arith.constant 64 : i32
    %mul3A_2 = arith.muli %add3A, %mul3A_1 : i32
    "tpu.region"() ({
      %run_scoped3A = tpu.sem_alloc : memref<!tpu.dma_semaphore, #tpu.memory_space<semaphore_mem>>
      %dma_start3A_7 = tpu.memref_slice %arg3[%mul3A_2] : memref<2048xi32, #tpu.memory_space<hbm>> -> memref<64xi32, #tpu.memory_space<hbm>>
      %dma_start3A_8 = tpu.memref_slice %arg3[%mul3A_2] : memref<2048xi32, #tpu.memory_space<hbm>> -> memref<64xi32, #tpu.memory_space<hbm>>
      tpu.enqueue_dma source(%dma_start3A_8 : memref<64xi32, #tpu.memory_space<hbm>>) target(%arg5 : memref<64xi32, #tpu.memory_space<vmem>>) target_semaphore(%run_scoped3A : memref<!tpu.dma_semaphore, #tpu.memory_space<semaphore_mem>>)
      %dma_wait3A_9 = tpu.memref_slice %arg3[%mul3A_2] : memref<2048xi32, #tpu.memory_space<hbm>> -> memref<64xi32, #tpu.memory_space<hbm>>
      %dma_wait3A_10 = tpu.memref_slice %arg3[%mul3A_2] : memref<2048xi32, #tpu.memory_space<hbm>> -> memref<64xi32, #tpu.memory_space<hbm>>
      tpu.wait_dma2 semaphore(%run_scoped3A : memref<!tpu.dma_semaphore, #tpu.memory_space<semaphore_mem>>) src(%dma_wait3A_10 : memref<64xi32, #tpu.memory_space<hbm>>) dst(%arg5 : memref<64xi32, #tpu.memory_space<vmem>>)
      tpu.yield
    }) : () -> ()
    %dma_start3A = arith.constant 0 : i32
    %dma_start3A_3 = arith.constant 0 : i32
    %dma_start3A_4 = tpu.memref_slice %arg2[%dma_start3A, %dma_start3A_3] : memref<30522x512xf32, #tpu.memory_space<hbm>> -> memref<30522x512xf32, #tpu.memory_space<hbm>>
    tpu.enqueue_indirect_dma source(%dma_start3A_4 : memref<30522x512xf32, #tpu.memory_space<hbm>>) target(%arg6 : memref<64x512xf32, #tpu.memory_space<vmem>>) offsets(%arg5 : memref<64xi32, #tpu.memory_space<vmem>>) semaphore(%arg7 : memref<!tpu.dma_semaphore, #tpu.memory_space<semaphore_mem>>)
    %dma_wait3A = arith.constant 0 : i32
    %dma_wait3A_5 = arith.constant 0 : i32
    %dma_wait3A_6 = tpu.memref_slice %arg2[%dma_wait3A, %dma_wait3A_5] : memref<30522x512xf32, #tpu.memory_space<hbm>> -> memref<30522x512xf32, #tpu.memory_space<hbm>>
    tpu.wait_indirect_dma semaphore(%arg7 : memref<!tpu.dma_semaphore, #tpu.memory_space<semaphore_mem>>) src(%dma_wait3A_6 : memref<30522x512xf32, #tpu.memory_space<hbm>>) dst(%arg6 : memref<64x512xf32, #tpu.memory_space<vmem>>)
    "tpu.region"() ({
      %run_scoped3A = tpu.sem_alloc : memref<!tpu.dma_semaphore, #tpu.memory_space<semaphore_mem>>
      %dma_start3A_7 = arith.constant 0 : i32
      %dma_start3A_8 = tpu.memref_slice %arg4[%mul3A_2, %dma_start3A_7] : memref<2048x512xf32, #tpu.memory_space<hbm>> -> memref<64x512xf32, #tpu.memory_space<hbm>>
      %dma_start3A_9 = arith.constant 0 : i32
      %dma_start3A_10 = tpu.memref_slice %arg4[%mul3A_2, %dma_start3A_9] : memref<2048x512xf32, #tpu.memory_space<hbm>> -> memref<64x512xf32, #tpu.memory_space<hbm>>
      tpu.enqueue_dma source(%arg6 : memref<64x512xf32, #tpu.memory_space<vmem>>) target(%dma_start3A_10 : memref<64x512xf32, #tpu.memory_space<hbm>>) target_semaphore(%run_scoped3A : memref<!tpu.dma_semaphore, #tpu.memory_space<semaphore_mem>>)
      %dma_wait3A_11 = arith.constant 0 : i32
      %dma_wait3A_12 = tpu.memref_slice %arg4[%mul3A_2, %dma_wait3A_11] : memref<2048x512xf32, #tpu.memory_space<hbm>> -> memref<64x512xf32, #tpu.memory_space<hbm>>
      %dma_wait3A_13 = arith.constant 0 : i32
      %dma_wait3A_14 = tpu.memref_slice %arg4[%mul3A_2, %dma_wait3A_13] : memref<2048x512xf32, #tpu.memory_space<hbm>> -> memref<64x512xf32, #tpu.memory_space<hbm>>
      tpu.wait_dma2 semaphore(%run_scoped3A : memref<!tpu.dma_semaphore, #tpu.memory_space<semaphore_mem>>) src(%arg6 : memref<64x512xf32, #tpu.memory_space<vmem>>) dst(%dma_wait3A_14 : memref<64x512xf32, #tpu.memory_space<hbm>>)
      tpu.yield
    }) : () -> ()
    return
  }
}

module attributes {stable_mosaic.version = 14 : i64} {
  func.func @_moe_body(%arg0: i32, %arg1: i32, %arg2: memref<2048x512xf32, #tpu.memory_space<vmem>>, %arg3: memref<512x4xf32, #tpu.memory_space<vmem>>, %arg4: memref<1x512x2048xf32, #tpu.memory_space<vmem>>, %arg5: memref<1x2048x512xf32, #tpu.memory_space<vmem>>, %arg6: memref<2048x512xf32, #tpu.memory_space<vmem>>, %arg7: memref<1x1xf32, #tpu.memory_space<vmem>>, %arg8: memref<2048x4xf32, #tpu.memory_space<vmem>>, %arg9: memref<8x128xf32, #tpu.memory_space<vmem>>) attributes {dimension_semantics = [#tpu.dimension_semantics<arbitrary>, #tpu.dimension_semantics<arbitrary>], iteration_bounds = array<i64: 4, 2>, scalar_prefetch = 0 : i64, scratch_operands = 2 : i64, tpu.core_type = #tpu.core_type<tc>, window_params = [{pipeline_mode = #tpu.pipeline_mode<synchronous>, transform_indices = @transform_0, window_bounds = array<i64: 2048, 512>}, {pipeline_mode = #tpu.pipeline_mode<synchronous>, transform_indices = @transform_1, window_bounds = array<i64: 512, 4>}, {transform_indices = @transform_2, window_bounds = array<i64: 1, 512, 2048>}, {transform_indices = @transform_3, window_bounds = array<i64: 1, 2048, 512>}, {pipeline_mode = #tpu.pipeline_mode<synchronous>, transform_indices = @transform_4, window_bounds = array<i64: 2048, 512>}, {pipeline_mode = #tpu.pipeline_mode<synchronous>, transform_indices = @transform_5, window_bounds = array<i64: 1, 1>}]} {
    %mul3A = arith.constant 1024 : i32
    %mul3A_0 = arith.muli %arg1, %mul3A : i32
    %eq3A = arith.constant 0 : i32
    %eq3A_1 = arith.cmpi eq, %arg1, %eq3A : i32
    %eq3A_2 = arith.constant 0 : i32
    %eq3A_3 = arith.cmpi eq, %arg0, %eq3A_2 : i32
    %and3A = arith.andi %eq3A_1, %eq3A_3 : i1
    %convert_element_type3A = arith.extui %and3A : i1 to i32
    %cond3A = arith.constant 0 : i32
    %cond3A_4 = arith.cmpi ne, %convert_element_type3A, %cond3A : i32
    scf.if %cond3A_4 {
      %broadcast_in_dim3A_61 = arith.constant 0.000000e+00 : f32
      %broadcast_in_dim3A_62 = vector.broadcast %broadcast_in_dim3A_61 : f32 to vector<8x128xf32>
      %swap3A = arith.constant 0 : index
      %swap3A_63 = arith.constant 0 : index
      %swap3A_64 = vector.load %arg9[%swap3A, %swap3A_63] : memref<8x128xf32, #tpu.memory_space<vmem>>, vector<8x128xf32>
      tpu.vector_store %arg9[%swap3A, %swap3A_63], %broadcast_in_dim3A_62 {strides = array<i32>} : memref<8x128xf32, #tpu.memory_space<vmem>>, vector<8x128xf32>,
    } else {
    }
    %eq3A_5 = arith.constant 0 : i32
    %eq3A_6 = arith.cmpi eq, %arg0, %eq3A_5 : i32
    %convert_element_type3A_7 = arith.extui %eq3A_6 : i1 to i32
    %cond3A_8 = arith.constant 0 : i32
    %cond3A_9 = arith.cmpi ne, %convert_element_type3A_7, %cond3A_8 : i32
    scf.if %cond3A_9 {
      %get3A_61 = arith.index_cast %mul3A_0 : i32 to index
      %get3A_62 = arith.constant 0 : index
      %get3A_63 = vector.load %arg2[%get3A_61, %get3A_62] : memref<2048x512xf32, #tpu.memory_space<vmem>>, vector<1024x512xf32>
      %convert_element_type3A_64 = arith.truncf %get3A_63 : vector<1024x512xf32> to vector<1024x512xbf16>
      %get3A_65 = arith.constant 0 : index
      %get3A_66 = arith.constant 0 : index
      %get3A_67 = vector.load %arg3[%get3A_65, %get3A_66] : memref<512x4xf32, #tpu.memory_space<vmem>>, vector<512x4xf32>
      %convert_element_type3A_68 = arith.truncf %get3A_67 : vector<512x4xf32> to vector<512x4xbf16>
      %dot_general3A_69 = arith.constant dense<0.000000e+00> : vector<1024x4xf32>
      %dot_general3A_70 = tpu.matmul %convert_element_type3A_64, %convert_element_type3A_68, %dot_general3A_69 {dimension_numbers = #tpu.dot_dimension_numbers<[1], [0], [0], [1], [0, 0, 1, 1], [], []>, transpose_lhs_hint = false} : vector<1024x512xbf16>, vector<512x4xbf16>, vector<1024x4xf32> -> vector<1024x4xf32>
      %reduce_max3A = arith.constant dense<0xFF800000> : vector<1024xf32>
      %reduce_max3A_71 = vector.multi_reduction <maximumf>, %dot_general3A_70, %reduce_max3A [1] : vector<1024x4xf32> to vector<1024xf32>
      %broadcast_in_dim3A_72 = vector.shape_cast %reduce_max3A_71 : vector<1024xf32> to vector<1024x1xf32>
      %sub3A = vector.broadcast %broadcast_in_dim3A_72 : vector<1024x1xf32> to vector<1024x4xf32>
      %sub3A_73 = arith.subf %dot_general3A_70, %sub3A : vector<1024x4xf32>
      %exp3A = math.exp %sub3A_73 : vector<1024x4xf32>
      %reduce_sum3A_74 = arith.constant dense<0.000000e+00> : vector<1024xf32>
      %reduce_sum3A_75 = vector.multi_reduction <add>, %exp3A, %reduce_sum3A_74 [1] : vector<1024x4xf32> to vector<1024xf32>
      %broadcast_in_dim3A_76 = vector.shape_cast %reduce_sum3A_75 : vector<1024xf32> to vector<1024x1xf32>
      %div3A = vector.broadcast %broadcast_in_dim3A_76 : vector<1024x1xf32> to vector<1024x4xf32>
      %div3A_77 = arith.divf %exp3A, %div3A : vector<1024x4xf32>
      %iota3A_78 = tpu.iota {dimensions = array<i32: 1>} : vector<1024x4xi32>
      %reduce_max3A_79 = arith.constant dense<0xFF800000> : vector<1024xf32>
      %reduce_max3A_80 = vector.multi_reduction <maximumf>, %div3A_77, %reduce_max3A_79 [1] : vector<1024x4xf32> to vector<1024xf32>
      %broadcast_in_dim3A_81 = vector.shape_cast %reduce_max3A_80 : vector<1024xf32> to vector<1024x1xf32>
      %eq3A_82 = vector.broadcast %broadcast_in_dim3A_81 : vector<1024x1xf32> to vector<1024x4xf32>
      %eq3A_83 = arith.cmpf oeq, %div3A_77, %eq3A_82 : vector<1024x4xf32>
      %jit3A_84 = arith.constant 4 : i32
      %broadcast_in_dim3A_85 = vector.broadcast %jit3A_84 : i32 to vector<1024x4xi32>
      %select_n3A_86 = arith.select %eq3A_83, %iota3A_78, %broadcast_in_dim3A_85 : vector<1024x4xi1>, vector<1024x4xi32>
      %reduce_min3A = arith.constant dense<2147483647> : vector<1024xi32>
      %reduce_min3A_87 = vector.multi_reduction <minsi>, %select_n3A_86, %reduce_min3A [1] : vector<1024x4xi32> to vector<1024xi32>
      %broadcast_in_dim3A_88 = vector.shape_cast %reduce_min3A_87 : vector<1024xi32> to vector<1024x1xi32>
      %eq3A_89 = vector.broadcast %broadcast_in_dim3A_88 : vector<1024x1xi32> to vector<1024x4xi32>
      %eq3A_90 = arith.cmpi eq, %iota3A_78, %eq3A_89 : vector<1024x4xi32>
      %jit3A_91 = arith.constant 0xFF800000 : f32
      %broadcast_in_dim3A_92 = vector.broadcast %jit3A_91 : f32 to vector<1024x4xf32>
      %select_n3A_93 = arith.select %eq3A_90, %broadcast_in_dim3A_92, %div3A_77 : vector<1024x4xi1>, vector<1024x4xf32>
      %reduce_max3A_94 = arith.constant dense<0xFF800000> : vector<1024xf32>
      %reduce_max3A_95 = vector.multi_reduction <maximumf>, %select_n3A_93, %reduce_max3A_94 [1] : vector<1024x4xf32> to vector<1024xf32>
      %broadcast_in_dim3A_96 = vector.shape_cast %reduce_max3A_95 : vector<1024xf32> to vector<1024x1xf32>
      %eq3A_97 = vector.broadcast %broadcast_in_dim3A_96 : vector<1024x1xf32> to vector<1024x4xf32>
      %eq3A_98 = arith.cmpf oeq, %select_n3A_93, %eq3A_97 : vector<1024x4xf32>
      %jit3A_99 = arith.constant 4 : i32
      %broadcast_in_dim3A_100 = vector.broadcast %jit3A_99 : i32 to vector<1024x4xi32>
      %select_n3A_101 = arith.select %eq3A_98, %iota3A_78, %broadcast_in_dim3A_100 : vector<1024x4xi1>, vector<1024x4xi32>
      %reduce_min3A_102 = arith.constant dense<2147483647> : vector<1024xi32>
      %reduce_min3A_103 = vector.multi_reduction <minsi>, %select_n3A_101, %reduce_min3A_102 [1] : vector<1024x4xi32> to vector<1024xi32>
      %broadcast_in_dim3A_104 = vector.shape_cast %reduce_min3A_103 : vector<1024xi32> to vector<1024x1xi32>
      %add3A = arith.addf %broadcast_in_dim3A_81, %broadcast_in_dim3A_96 : vector<1024x1xf32>
      %add3A_105 = arith.constant 9.99999971E-10 : f32
      %add3A_106 = vector.broadcast %add3A_105 : f32 to vector<1024x1xf32>
      %add3A_107 = arith.addf %add3A, %add3A_106 : vector<1024x1xf32>
      %eq3A_108 = vector.broadcast %broadcast_in_dim3A_88 : vector<1024x1xi32> to vector<1024x4xi32>
      %eq3A_109 = arith.cmpi eq, %iota3A_78, %eq3A_108 : vector<1024x4xi32>
      %div3A_110 = arith.divf %broadcast_in_dim3A_81, %add3A_107 : vector<1024x1xf32>
      %eq3A_111 = vector.broadcast %broadcast_in_dim3A_104 : vector<1024x1xi32> to vector<1024x4xi32>
      %eq3A_112 = arith.cmpi eq, %iota3A_78, %eq3A_111 : vector<1024x4xi32>
      %div3A_113 = arith.divf %broadcast_in_dim3A_96, %add3A_107 : vector<1024x1xf32>
      %jit3A_114 = arith.constant 0.000000e+00 : f32
      %broadcast_in_dim3A_115 = vector.shape_cast %div3A_113 : vector<1024x1xf32> to vector<1024x1xf32>
      %broadcast_in_dim3A_116 = vector.broadcast %broadcast_in_dim3A_115 : vector<1024x1xf32> to vector<1024x4xf32>
      %broadcast_in_dim3A_117 = vector.broadcast %jit3A_114 : f32 to vector<1024x4xf32>
      %select_n3A_118 = arith.select %eq3A_112, %broadcast_in_dim3A_116, %broadcast_in_dim3A_117 : vector<1024x4xi1>, vector<1024x4xf32>
      %broadcast_in_dim3A_119 = vector.shape_cast %div3A_110 : vector<1024x1xf32> to vector<1024x1xf32>
      %broadcast_in_dim3A_120 = vector.broadcast %broadcast_in_dim3A_119 : vector<1024x1xf32> to vector<1024x4xf32>
      %select_n3A_121 = arith.select %eq3A_109, %broadcast_in_dim3A_120, %select_n3A_118 : vector<1024x4xi1>, vector<1024x4xf32>
      %swap3A = arith.index_cast %mul3A_0 : i32 to index
      %swap3A_122 = arith.constant 0 : index
      %swap3A_123 = vector.load %arg8[%swap3A, %swap3A_122] : memref<2048x4xf32, #tpu.memory_space<vmem>>, vector<1024x4xf32>
      tpu.vector_store %arg8[%swap3A, %swap3A_122], %select_n3A_121 {strides = array<i32>} : memref<2048x4xf32, #tpu.memory_space<vmem>>, vector<1024x4xf32>,
      %eq3A_124 = vector.broadcast %broadcast_in_dim3A_88 : vector<1024x1xi32> to vector<1024x4xi32>
      %eq3A_125 = arith.cmpi eq, %iota3A_78, %eq3A_124 : vector<1024x4xi32>
      %convert_element_type3A_126 = arith.extui %eq3A_125 : vector<1024x4xi1> to vector<1024x4xi32>
      %convert_element_type3A_127 = arith.sitofp %convert_element_type3A_126 : vector<1024x4xi32> to vector<1024x4xf32>
      %get3A_128 = arith.constant 0 : index
      %get3A_129 = arith.constant 0 : index
      %get3A_130 = vector.load %arg9[%get3A_128, %get3A_129] : memref<8x128xf32, #tpu.memory_space<vmem>>, vector<1x4xf32>
      %reduce_sum3A_131 = arith.constant dense<0.000000e+00> : vector<4xf32>
      %reduce_sum3A_132 = vector.multi_reduction <add>, %convert_element_type3A_127, %reduce_sum3A_131 [0] : vector<1024x4xf32> to vector<4xf32>
      %broadcast_in_dim3A_133 = vector.shape_cast %reduce_sum3A_132 : vector<4xf32> to vector<1x4xf32>
      %add3A_134 = arith.addf %get3A_130, %broadcast_in_dim3A_133 : vector<1x4xf32>
      %swap3A_135 = arith.constant 0 : index
      %swap3A_136 = arith.constant 0 : index
      %swap3A_137 = vector.load %arg9[%swap3A_135, %swap3A_136] : memref<8x128xf32, #tpu.memory_space<vmem>>, vector<1x4xf32>
      tpu.vector_store %arg9[%swap3A_135, %swap3A_136], %add3A_134 {strides = array<i32>} : memref<8x128xf32, #tpu.memory_space<vmem>>, vector<1x4xf32>,
      %get3A_138 = arith.constant 1 : index
      %get3A_139 = arith.constant 0 : index
      %get3A_140 = vector.load %arg9[%get3A_138, %get3A_139] : memref<8x128xf32, #tpu.memory_space<vmem>>, vector<1x4xf32>
      %reduce_sum3A_141 = arith.constant dense<0.000000e+00> : vector<4xf32>
      %reduce_sum3A_142 = vector.multi_reduction <add>, %div3A_77, %reduce_sum3A_141 [0] : vector<1024x4xf32> to vector<4xf32>
      %broadcast_in_dim3A_143 = vector.shape_cast %reduce_sum3A_142 : vector<4xf32> to vector<1x4xf32>
      %add3A_144 = arith.addf %get3A_140, %broadcast_in_dim3A_143 : vector<1x4xf32>
      %swap3A_145 = arith.constant 1 : index
      %swap3A_146 = arith.constant 0 : index
      %swap3A_147 = vector.load %arg9[%swap3A_145, %swap3A_146] : memref<8x128xf32, #tpu.memory_space<vmem>>, vector<1x4xf32>
      tpu.vector_store %arg9[%swap3A_145, %swap3A_146], %add3A_144 {strides = array<i32>} : memref<8x128xf32, #tpu.memory_space<vmem>>, vector<1x4xf32>,
    } else {
    }
    %get3A = arith.index_cast %mul3A_0 : i32 to index
    %get3A_10 = arith.constant 0 : index
    %get3A_11 = vector.load %arg2[%get3A, %get3A_10] : memref<2048x512xf32, #tpu.memory_space<vmem>>, vector<1024x512xf32>
    %convert_element_type3A_12 = arith.truncf %get3A_11 : vector<1024x512xf32> to vector<1024x512xbf16>
    %get3A_13 = arith.constant 0 : index
    %get3A_14 = arith.constant 0 : index
    %get3A_15 = arith.constant 0 : index
    %get3A_16 = vector.load %arg4[%get3A_13, %get3A_14, %get3A_15] : memref<1x512x2048xf32, #tpu.memory_space<vmem>>, vector<1x512x2048xf32>
    %get3A_17 = vector.shape_cast %get3A_16 : vector<1x512x2048xf32> to vector<512x2048xf32>
    %convert_element_type3A_18 = arith.truncf %get3A_17 : vector<512x2048xf32> to vector<512x2048xbf16>
    %dot_general3A = arith.constant dense<0.000000e+00> : vector<1024x2048xf32>
    %dot_general3A_19 = tpu.matmul %convert_element_type3A_12, %convert_element_type3A_18, %dot_general3A {dimension_numbers = #tpu.dot_dimension_numbers<[1], [0], [0], [1], [0, 0, 1, 1], [], []>, transpose_lhs_hint = false} : vector<1024x512xbf16>, vector<512x2048xbf16>, vector<1024x2048xf32> -> vector<1024x2048xf32>
    %max3A = arith.constant 0.000000e+00 : f32
    %max3A_20 = vector.broadcast %max3A : f32 to vector<1024x2048xf32>
    %max3A_21 = arith.maximumf %dot_general3A_19, %max3A_20 : vector<1024x2048xf32>
    %convert_element_type3A_22 = arith.truncf %max3A_21 : vector<1024x2048xf32> to vector<1024x2048xbf16>
    %get3A_23 = arith.constant 0 : index
    %get3A_24 = arith.constant 0 : index
    %get3A_25 = arith.constant 0 : index
    %get3A_26 = vector.load %arg5[%get3A_23, %get3A_24, %get3A_25] : memref<1x2048x512xf32, #tpu.memory_space<vmem>>, vector<1x2048x512xf32>
    %get3A_27 = vector.shape_cast %get3A_26 : vector<1x2048x512xf32> to vector<2048x512xf32>
    %convert_element_type3A_28 = arith.truncf %get3A_27 : vector<2048x512xf32> to vector<2048x512xbf16>
    %dot_general3A_29 = arith.constant dense<0.000000e+00> : vector<1024x512xf32>
    %dot_general3A_30 = tpu.matmul %convert_element_type3A_22, %convert_element_type3A_28, %dot_general3A_29 {dimension_numbers = #tpu.dot_dimension_numbers<[1], [0], [0], [1], [0, 0, 1, 1], [], []>, transpose_lhs_hint = false} : vector<1024x2048xbf16>, vector<2048x512xbf16>, vector<1024x512xf32> -> vector<1024x512xf32>
    %iota3A = tpu.iota {dimensions = array<i32: 1>} : vector<1024x4xi32>
    %eq3A_31 = vector.broadcast %arg0 : i32 to vector<1024x4xi32>
    %eq3A_32 = arith.cmpi eq, %iota3A, %eq3A_31 : vector<1024x4xi32>
    %get3A_33 = arith.index_cast %mul3A_0 : i32 to index
    %get3A_34 = arith.constant 0 : index
    %get3A_35 = vector.load %arg8[%get3A_33, %get3A_34] : memref<2048x4xf32, #tpu.memory_space<vmem>>, vector<1024x4xf32>
    %jit3A = arith.constant 0.000000e+00 : f32
    %broadcast_in_dim3A = vector.broadcast %jit3A : f32 to vector<1024x4xf32>
    %select_n3A = arith.select %eq3A_32, %get3A_35, %broadcast_in_dim3A : vector<1024x4xi1>, vector<1024x4xf32>
    %reduce_sum3A = arith.constant dense<0.000000e+00> : vector<1024xf32>
    %reduce_sum3A_36 = vector.multi_reduction <add>, %select_n3A, %reduce_sum3A [1] : vector<1024x4xf32> to vector<1024xf32>
    %broadcast_in_dim3A_37 = vector.shape_cast %reduce_sum3A_36 : vector<1024xf32> to vector<1024x1xf32>
    %convert_element_type3A_38 = arith.truncf %broadcast_in_dim3A_37 : vector<1024x1xf32> to vector<1024x1xbf16>
    %convert_element_type3A_39 = arith.extf %convert_element_type3A_38 : vector<1024x1xbf16> to vector<1024x1xf32>
    %convert_element_type3A_40 = arith.truncf %dot_general3A_30 : vector<1024x512xf32> to vector<1024x512xbf16>
    %convert_element_type3A_41 = arith.extf %convert_element_type3A_40 : vector<1024x512xbf16> to vector<1024x512xf32>
    %mul3A_42 = vector.broadcast %convert_element_type3A_39 : vector<1024x1xf32> to vector<1024x512xf32>
    %mul3A_43 = arith.mulf %mul3A_42, %convert_element_type3A_41 : vector<1024x512xf32>
    %eq3A_44 = arith.constant 0 : i32
    %eq3A_45 = arith.cmpi eq, %arg0, %eq3A_44 : i32
    %convert_element_type3A_46 = arith.extui %eq3A_45 : i1 to i32
    %cond3A_47 = arith.constant 0 : i32
    %cond3A_48 = arith.cmpi ne, %convert_element_type3A_46, %cond3A_47 : i32
    scf.if %cond3A_48 {
      %swap3A = arith.index_cast %mul3A_0 : i32 to index
      %swap3A_61 = arith.constant 0 : index
      %swap3A_62 = vector.load %arg6[%swap3A, %swap3A_61] : memref<2048x512xf32, #tpu.memory_space<vmem>>, vector<1024x512xf32>
      tpu.vector_store %arg6[%swap3A, %swap3A_61], %mul3A_43 {strides = array<i32>} : memref<2048x512xf32, #tpu.memory_space<vmem>>, vector<1024x512xf32>,
    } else {
    }
    %ne3A = arith.constant 0 : i32
    %ne3A_49 = arith.cmpi ne, %arg0, %ne3A : i32
    %convert_element_type3A_50 = arith.extui %ne3A_49 : i1 to i32
    %cond3A_51 = arith.constant 0 : i32
    %cond3A_52 = arith.cmpi ne, %convert_element_type3A_50, %cond3A_51 : i32
    scf.if %cond3A_52 {
      %get3A_61 = arith.index_cast %mul3A_0 : i32 to index
      %get3A_62 = arith.constant 0 : index
      %get3A_63 = vector.load %arg6[%get3A_61, %get3A_62] : memref<2048x512xf32, #tpu.memory_space<vmem>>, vector<1024x512xf32>
      %add3A = arith.addf %get3A_63, %mul3A_43 : vector<1024x512xf32>
      %swap3A = arith.index_cast %mul3A_0 : i32 to index
      %swap3A_64 = arith.constant 0 : index
      %swap3A_65 = vector.load %arg6[%swap3A, %swap3A_64] : memref<2048x512xf32, #tpu.memory_space<vmem>>, vector<1024x512xf32>
      tpu.vector_store %arg6[%swap3A, %swap3A_64], %add3A {strides = array<i32>} : memref<2048x512xf32, #tpu.memory_space<vmem>>, vector<1024x512xf32>,
    } else {
    }
    %eq3A_53 = arith.constant 1 : i32
    %eq3A_54 = arith.cmpi eq, %arg1, %eq3A_53 : i32
    %eq3A_55 = arith.constant 3 : i32
    %eq3A_56 = arith.cmpi eq, %arg0, %eq3A_55 : i32
    %and3A_57 = arith.andi %eq3A_54, %eq3A_56 : i1
    %convert_element_type3A_58 = arith.extui %and3A_57 : i1 to i32
    %cond3A_59 = arith.constant 0 : i32
    %cond3A_60 = arith.cmpi ne, %convert_element_type3A_58, %cond3A_59 : i32
    scf.if %cond3A_60 {
      %get3A_61 = arith.constant 0 : index
      %get3A_62 = arith.constant 0 : index
      %get3A_63 = vector.load %arg9[%get3A_61, %get3A_62] : memref<8x128xf32, #tpu.memory_space<vmem>>, vector<1x4xf32>
      %get3A_64 = arith.constant 1 : index
      %get3A_65 = arith.constant 0 : index
      %get3A_66 = vector.load %arg9[%get3A_64, %get3A_65] : memref<8x128xf32, #tpu.memory_space<vmem>>, vector<1x4xf32>
      %mul3A_67 = arith.mulf %get3A_63, %get3A_66 : vector<1x4xf32>
      %reduce_sum3A_68 = arith.constant dense<0.000000e+00> : vector<1xf32>
      %reduce_sum3A_69 = vector.multi_reduction <add>, %mul3A_67, %reduce_sum3A_68 [1] : vector<1x4xf32> to vector<1xf32>
      %broadcast_in_dim3A_70 = vector.shape_cast %reduce_sum3A_69 : vector<1xf32> to vector<1x1xf32>
      %mul3A_71 = arith.constant 9.53674316E-7 : f32
      %mul3A_72 = vector.broadcast %mul3A_71 : f32 to vector<1x1xf32>
      %mul3A_73 = arith.mulf %broadcast_in_dim3A_70, %mul3A_72 : vector<1x1xf32>
      %swap3A = arith.constant 0 : index
      %swap3A_74 = arith.constant 0 : index
      %swap3A_75 = vector.load %arg7[%swap3A, %swap3A_74] : memref<1x1xf32, #tpu.memory_space<vmem>>, vector<1x1xf32>
      tpu.vector_store %arg7[%swap3A, %swap3A_74], %mul3A_73 {strides = array<i32>} : memref<1x1xf32, #tpu.memory_space<vmem>>, vector<1x1xf32>,
    } else {
    }
    return
  }
  func.func @transform_0(%arg0: i32, %arg1: i32) -> (i32, i32) {
    %c0_i32 = arith.constant 0 : i32
    %c0_i32_0 = arith.constant 0 : i32
    %c0_i32_1 = arith.constant 0 : i32
    return %c0_i32, %c0_i32_0 : i32, i32
  }
  func.func @transform_1(%arg0: i32, %arg1: i32) -> (i32, i32) {
    %c0_i32 = arith.constant 0 : i32
    %c0_i32_0 = arith.constant 0 : i32
    %c0_i32_1 = arith.constant 0 : i32
    return %c0_i32, %c0_i32_0 : i32, i32
  }
  func.func @transform_2(%arg0: i32, %arg1: i32) -> (i32, i32, i32) {
    %c0_i32 = arith.constant 0 : i32
    %c0_i32_0 = arith.constant 0 : i32
    %c0_i32_1 = arith.constant 0 : i32
    return %arg0, %c0_i32, %c0_i32_0 : i32, i32, i32
  }
  func.func @transform_3(%arg0: i32, %arg1: i32) -> (i32, i32, i32) {
    %c0_i32 = arith.constant 0 : i32
    %c0_i32_0 = arith.constant 0 : i32
    %c0_i32_1 = arith.constant 0 : i32
    return %arg0, %c0_i32, %c0_i32_0 : i32, i32, i32
  }
  func.func @transform_4(%arg0: i32, %arg1: i32) -> (i32, i32) {
    %c0_i32 = arith.constant 0 : i32
    %c0_i32_0 = arith.constant 0 : i32
    %c0_i32_1 = arith.constant 0 : i32
    return %c0_i32, %c0_i32_0 : i32, i32
  }
  func.func @transform_5(%arg0: i32, %arg1: i32) -> (i32, i32) {
    %c0_i32 = arith.constant 0 : i32
    %c0_i32_0 = arith.constant 0 : i32
    %c0_i32_1 = arith.constant 0 : i32
    return %c0_i32, %c0_i32_0 : i32, i32
  }
}

module attributes {stable_mosaic.version = 14 : i64} {
  func.func @_mlm_body(%arg0: i32, %arg1: memref<2048x512xf32, #tpu.memory_space<vmem>>, %arg2: memref<1024x512xf32, #tpu.memory_space<vmem>>, %arg3: memref<1024x1xf32, #tpu.memory_space<vmem>>, %arg4: memref<16384x128xf32, #tpu.memory_space<vmem>>) attributes {dimension_semantics = [#tpu.dimension_semantics<arbitrary>], iteration_bounds = array<i64: 30>, scalar_prefetch = 0 : i64, scratch_operands = 0 : i64, tpu.core_type = #tpu.core_type<tc>, window_params = [{pipeline_mode = #tpu.pipeline_mode<synchronous>, transform_indices = @transform_0, window_bounds = array<i64: 2048, 512>}, {transform_indices = @transform_1, window_bounds = array<i64: 1024, 512>}, {transform_indices = @transform_2, window_bounds = array<i64: 1024, 1>}, {transform_indices = @transform_3, window_bounds = array<i64: 16384, 128>}]} {
    %get3A = arith.constant 0 : index
    %get3A_0 = arith.constant 0 : index
    %get3A_1 = vector.load %arg2[%get3A, %get3A_0] : memref<1024x512xf32, #tpu.memory_space<vmem>>, vector<1024x512xf32>
    %convert_element_type3A = arith.truncf %get3A_1 : vector<1024x512xf32> to vector<1024x512xbf16>
    %get3A_2 = arith.constant 0 : index
    %get3A_3 = arith.constant 0 : index
    %get3A_4 = vector.load %arg1[%get3A_2, %get3A_3] : memref<2048x512xf32, #tpu.memory_space<vmem>>, vector<2048x512xf32>
    %convert_element_type3A_5 = arith.truncf %get3A_4 : vector<2048x512xf32> to vector<2048x512xbf16>
    %dot_general3A = arith.constant dense<0.000000e+00> : vector<1024x2048xf32>
    %dot_general3A_6 = tpu.matmul %convert_element_type3A, %convert_element_type3A_5, %dot_general3A {dimension_numbers = #tpu.dot_dimension_numbers<[1], [1], [0], [0], [0, 0, 1, 0], [], []>, transpose_lhs_hint = false} : vector<1024x512xbf16>, vector<2048x512xbf16>, vector<1024x2048xf32> -> vector<1024x2048xf32>
    %get3A_7 = arith.constant 0 : index
    %get3A_8 = arith.constant 0 : index
    %get3A_9 = vector.load %arg3[%get3A_7, %get3A_8] : memref<1024x1xf32, #tpu.memory_space<vmem>>, vector<1024x1xf32>
    %add3A = vector.broadcast %get3A_9 : vector<1024x1xf32> to vector<1024x2048xf32>
    %add3A_10 = arith.addf %dot_general3A_6, %add3A : vector<1024x2048xf32>
    %reshape3A = vector.shape_cast %add3A_10 : vector<1024x2048xf32> to vector<16384x128xf32>
    %swap3A = arith.constant 0 : index
    %swap3A_11 = arith.constant 0 : index
    %swap3A_12 = vector.load %arg4[%swap3A, %swap3A_11] : memref<16384x128xf32, #tpu.memory_space<vmem>>, vector<16384x128xf32>
    tpu.vector_store %arg4[%swap3A, %swap3A_11], %reshape3A {strides = array<i32>} : memref<16384x128xf32, #tpu.memory_space<vmem>>, vector<16384x128xf32>,
    return
  }
  func.func @transform_0(%arg0: i32) -> (i32, i32) {
    %c0_i32 = arith.constant 0 : i32
    %c0_i32_0 = arith.constant 0 : i32
    %c0_i32_1 = arith.constant 0 : i32
    return %c0_i32, %c0_i32_0 : i32, i32
  }
  func.func @transform_1(%arg0: i32) -> (i32, i32) {
    %c0_i32 = arith.constant 0 : i32
    %c0_i32_0 = arith.constant 0 : i32
    return %arg0, %c0_i32 : i32, i32
  }
  func.func @transform_2(%arg0: i32) -> (i32, i32) {
    %c0_i32 = arith.constant 0 : i32
    %c0_i32_0 = arith.constant 0 : i32
    return %arg0, %c0_i32 : i32, i32
  }
  func.func @transform_3(%arg0: i32) -> (i32, i32) {
    %c0_i32 = arith.constant 0 : i32
    %c0_i32_0 = arith.constant 0 : i32
    return %arg0, %c0_i32 : i32, i32
  }
}

</mosaic_0001>

<sc_bundles>
// kernel: kernel.6.cloned.1.call-start
scs
__scs_entry_jumppad:
0x0: {  	(pc) =	sbr.rel $0x88, $3  }
0x1: {  	(tag) =	ssettag $0x0;
	lr =	simm.s32 $0x1  }
0x2: {  	[smem:$0x3F97] =	sst lr;
	_ =	strace $0xD0000000  }
0x3: {  	_ = 	snop  }
0x4: {  	_ = 	snop  }
0x5: {  	_ = 	snop  }
0x6: {  	_ = 	snop  }
0x7: {  	_ = 	snop  }
__scs_overlays_trampoline_lowered:
0x8: {  	[smem:$0x3FA6] =	sst s0  }
0x9: {  	[smem:$0x3FA7] =	sst s1  }
0xa: {  	[smem:$0x3FA8] =	sst s2  }
0xb: {  	[smem:$0x3FA9] =	sst s3  }
0xc: {  	[smem:$0x3FAA] =	sst s4  }
0xd: {  	[smem:$0x3FAB] =	sst s5  }
0xe: {  	[smem:$0x3FAC] =	sst s6  }
0xf: {  	[smem:$0x3FAD] =	sst s7  }
0x10: {  	[smem:$0x3FAE] =	sst s8  }
0x11: {  	[smem:$0x3FAF] =	sst s9;
	s0 =	simm.s32 @!p0 $0x0  }
0x12: {  	s1 =	sld [smem:$0x3F95];
	s0 =	simm.s32 @p0 $0x1  }
0x13: {  	[smem:$0x3FB0] =	sst s0;
	s0 =	simm.s32 @!p1 $0x0  }
0x14: {  	s2 =	sld [smem:$0x3F94];
	s0 =	simm.s32 @p1 $0x1  }
0x15: {  	[smem:$0x3FB1] =	sst s0;
	s0 =	simm.s32 @!p2 $0x0  }
0x16: {  	s3 =	sld [smem:$0x3FDB];
	s0 =	simm.s32 @p2 $0x1  }
0x17: {  	s4 =	simm.s32 $0x1BF5;
	[smem:$0x3FB3] =	sst s0  }
0x18: {  	s0 =	sld [smem:$0x3F96];
	_ =	swait.ge [sflag:s4], $0x0  }
0x19: {  	s7 =	sld [smem:$0x3F97]  }
0x1a: {  	s8 =	sadd.s32 $0xFFFFE003, lr  }
0x1b: {  	s9 =	sadd.s32 $0xFFFFFEF7, lr;
	s5 =	simm.s32 $0xFFFFFFFF;
	p2 =	slt.u32 s8, $0xFFFFF086  }
0x1c: {  	p1 =	slt.u32 s9, $0xF7A;
	s5 =	simm.s32 @!p2 $0x0  }
0x1d: {  	s5 =	simm.s32 @p1 $0x1;
	p0 =	seq.s32 s7, s2  }
0x1e: {  	s7 =	smul.u32 @!p0 $0xF7A, s2;
	p2 =	seq.s32 @!p0 s5, $0x0  }
0x1f: {  	s9 =	smul.u32 $0xF7A, s1;
	s8 =	simm.s32 @!p0 $0x1BF5;
	p2 =	por !p2, p0  }
0x20: {  	[sflag:s8] =	ssyncset.s32 @!p0 $0xFFFFF086;
	s6 =	sadd.s32 @!p0 s3, s7;
	s7 =	simm.s32 @!p0 $0x108  }
0x21: {  	s3 =	sadd.s32 s3, s9;
	s6 =	sadd.s32 @!p0 $0x88, s6;
	s7 =	simm.s32 @p2 $0x1082  }
0x22: {  	[simem:s7], [sflag:s8] =	dma.local @!p0 [hbm:s6], $0xF7A  }
0x23: {  	s9 =	sor.u32 $0xD0000000, s2;
	s6 =	simm.s32 $0x108;
	_ =	swait.ge @!p0 [sflag:s8], $0x0  }
0x24: {  	s3 =	sadd.s32 $0x88, s3;
	s6 =	simm.s32 @!p1 $0x1082;
	[sflag:s4] =	ssyncset.s32 $0xFFFFF086  }
0x25: {  	[simem:s6], [sflag:s4] =	dma.local [hbm:s3], $0xF7A  }
0x26: {  	[smem:$0x3F97] =	sst s1;
	(tag) =	ssettag s2;
	_ =	strace s9  }
0x27: {  	s1 =	sld [smem:$0x3FA7]  }
0x28: {  	s2 =	sld [smem:$0x3FA8]  }
0x29: {  	s4 =	sld [smem:$0x3FAA]  }
0x2a: {  	p0 =	seq.s32 s5, $0x0;
	s5 =	sld [smem:$0x3FAB]  }
0x2b: {  	s6 =	sld [smem:$0x3FAC]  }
0x2c: {  	s7 =	sld [smem:$0x3FAD]  }
0x2d: {  	s3 =	simm.s32 $0x108;
	s8 =	sld [smem:$0x3FAE]  }
0x2e: {  	s3 =	simm.s32 @!p0 $0x1082;
	s9 =	sld [smem:$0x3FAF]  }
0x2f: {  	lr =	sadd.s32 s0, s3;
	s0 =	sld [smem:$0x3FA6]  }
0x30: {  	s3 =	sld [smem:$0x3FA9]  }
0x31: {  	[smem:$0x3FB2] =	sst s10  }
0x32: {  	s10 =	sld [smem:$0x3FB0];
	_ =	sdelay $0x3  }
0x33: {  	p0 =	seq.s32 s10, $0x1;
	s10 =	sld [smem:$0x3FB2];
	_ =	sdelay $0x3  }
0x34: {  	[smem:$0x3FB2] =	sst s10  }
0x35: {  	s10 =	sld [smem:$0x3FB1];
	_ =	sdelay $0x3  }
0x36: {  	p1 =	seq.s32 s10, $0x1;
	s10 =	sld [smem:$0x3FB2];
	_ =	sdelay $0x3  }
0x37: {  	[smem:$0x3FB2] =	sst s10  }
0x38: {  	s10 =	sld [smem:$0x3FB3]  }
0x39: {  	_ = 	snop;
	(pc) =	sbr.ind lr, $3  }
0x3a: {  	_ = 	snop  }
0x3b: {  	_ = 	snop  }
0x3c: {  	p2 =	seq.s32 s10, $0x1;
	s10 =	sld [smem:$0x3FB2]  }
0x3d: {  	_ =	shalt  }
0x3e: {  	_ =	shalt  }
0x3f: {  	_ =	shalt  }
0x40: {  	_ =	shalt  }
0x41: {  	_ =	shalt  }
0x42: {  	_ =	shalt  }
0x43: {  	_ =	shalt  }
0x44: {  	_ =	shalt  }
0x45: {  	_ =	shalt  }
0x46: {  	_ =	shalt  }
0x47: {  	_ =	shalt  }
0x48: {  	_ =	shalt  }
0x49: {  	_ =	shalt  }
0x4a: {  	_ =	shalt  }
0x4b: {  	_ =	shalt  }
0x4c: {  	_ =	shalt  }
0x4d: {  	_ =	shalt  }
0x4e: {  	_ =	shalt  }
0x4f: {  	_ =	shalt  }
0x50: {  	_ =	shalt  }
0x51: {  	_ =	shalt  }
0x52: {  	_ =	shalt  }
0x53: {  	_ =	shalt  }
0x54: {  	_ =	shalt  }
0x55: {  	_ =	shalt  }
0x56: {  	_ =	shalt  }
0x57: {  	_ =	shalt  }
0x58: {  	_ =	shalt  }
0x59: {  	_ =	shalt  }
0x5a: {  	_ =	shalt  }
0x5b: {  	_ =	shalt  }
0x5c: {  	_ =	shalt  }
0x5d: {  	_ =	shalt  }
0x5e: {  	_ =	shalt  }
0x5f: {  	_ =	shalt  }
0x60: {  	_ =	shalt  }
0x61: {  	_ =	shalt  }
0x62: {  	_ =	shalt  }
0x63: {  	_ =	shalt  }
0x64: {  	_ =	shalt  }
0x65: {  	_ =	shalt  }
0x66: {  	_ =	shalt  }
0x67: {  	_ =	shalt  }
0x68: {  	_ =	shalt  }
0x69: {  	_ =	shalt  }
0x6a: {  	_ =	shalt  }
0x6b: {  	_ =	shalt  }
0x6c: {  	_ =	shalt  }
0x6d: {  	_ =	shalt  }
0x6e: {  	_ =	shalt  }
0x6f: {  	_ =	shalt  }
0x70: {  	_ =	shalt  }
0x71: {  	_ =	shalt  }
0x72: {  	_ =	shalt  }
0x73: {  	_ =	shalt  }
0x74: {  	_ =	shalt  }
0x75: {  	_ =	shalt  }
0x76: {  	_ =	shalt  }
0x77: {  	_ =	shalt  }
0x78: {  	_ =	shalt  }
0x79: {  	_ =	shalt  }
0x7a: {  	_ =	shalt  }
0x7b: {  	_ =	shalt  }
0x7c: {  	_ =	shalt  }
0x7d: {  	_ =	shalt  }
0x7e: {  	_ =	shalt  }
0x7f: {  	_ =	shalt  }
0x80: {  	_ =	shalt  }
0x81: {  	_ =	shalt  }
0x82: {  	_ =	shalt  }
0x83: {  	_ =	shalt  }
0x84: {  	_ =	shalt  }
0x85: {  	_ =	shalt  }
0x86: {  	_ =	shalt  }
0x87: {  	_ =	shalt  }
.Lfunc_end0:
.L_simem_size_0:
called_computation_lowered:
.L_overlay_start_0:
0x88: {  	s2 =	sld [smem:$0x3FD9]  }
0x89: {  	s3 =	sld [smem:$0x3FFE];
	_ =	sdelay $0x1  }
0x8a: {  	s1 =	srdreg.scid  }
0x8b: {  	s0 =	sand.u32 $0x1, s1  }
0x8c: {  	s15 =	sshll.u32 s0, $0xA;
	s2 =	sadd.s32 s3, s2  }
0x8d: {  	s2 =	sadd.s32 s2, s15  }
0x8e: {  	[smem:$0x3FBE] =	sst s2  }
0x8f: {  	_ = 	snop  }
0x90: {  	s2 =	sld [smem:$0x3FD0];
	_ =	sdelay $0x1  }
0x91: {  	s16 =	sld [smem:$0x3FC9]  }
0x92: {  	s5 =	simm.s32 $0xA;
	s6 =	simm.s32 $0x10;
	s4 =	sld [smem:$0x3FC8]  }
0x93: {  	[smem:s6], [sflag:s5] =	dma.local [hbm:s2], $0x1  }
0x94: {  	_ =	swait.eq [sflag:s5], $0x1  }
0x95: {  	[sflag:s5] =	ssyncset.done $0x0  }
0x96: {  	[sflag:s5] =	ssyncadd.s32 $0xFFFFFFFF  }
0x97: {  	s17 =	sld [smem:$0x10];
	(tm) =	ssettm $0x1  }
0x98: {  	s18 =	sld [smem:$0x3FFB];
	_ =	sdelay $0x3  }
0x99: {  	_ =	strace s18  }
0x9a: {  	s5 =	sld [smem:$0x3FFC];
	_ =	sdelay $0x3  }
0x9b: {  	_ =	strace s5  }
0x9c: {  	s5 =	sld [smem:$0x3FFD];
	_ =	sdelay $0x3  }
0x9d: {  	_ =	strace s5  }
0x9e: {  	_ =	strace $0x8FFFFFFF  }
0x9f: {  	s19 =	sld [smem:$0x3FDB];
	_ =	sdelay $0x1  }
0xa0: {  	s20 =	simm.s32 $_scs_section_size  }
0xa1: {  	s7 =	simm.s32 $_size__tile_overlayer_lowered;
	s8 =	simm.s32 $_tile_overlayer_lowered  }
0xa2: {  	s23 =	simm.s32 $0x1BFF;
	s22 =	sshll.u32 s8, $0x1;
	s5 =	sadd.s32 s20, s19  }
0xa3: {  	s9 =	simm.s32 $0x0;
	s21 =	sshll.u32 s7, $0x1;
	s7 =	sadd.s32 s22, s5  }
0xa4: {  	[timem:s9], [sflag:s23] =	dma.local [hbm:s7], s21  }
0xa5: {  	_ =	swait.ge [sflag:s23], s21  }
0xa6: {  	s6 =	ssub.s32 $0x0, s21;
	[sflag:s23] =	ssyncset.done $0x0  }
0xa7: {  	[sflag:s23] =	ssyncadd.s32 s6;
	_ =	sdelay $0x1  }
0xa8: {  	s24 =	simm.s32 $0x1B8B  }
0xa9: {  	_ =	swait.ge [sflag:s24], $0x1  }
0xaa: {  	[sflag:s24] =	ssyncset.done $0x0  }
0xab: {  	s25 =	simm.s32 $0x1B8E;
	[sflag:s24] =	ssyncadd.s32 $0xFFFFFFFF  }
0xac: {  	s26 =	simm.s32 $execute0_lowered;
	[smem:$0x3FD2] =	sst s25  }
0xad: {  	s6 =	sshll.u32 s26, $0x1;
	_ =	strace $0x80000046;
	[dreg:$0x1] =	wrdreg $0xFFFFFFFF  }
0xae: {  	s28 =	simm.s32 $_size_execute0_lowered;
	s5 =	sadd.s32 s5, s6;
	[dreg:$0x0] =	wrdreg $0x0  }
0xaf: {  	s6 =	sshll.u32 s28, $0x1;
	[dreg:$0x2] =	wrdreg s5  }
0xb0: {  	[dreg:$0x3] =	wrdreg s6  }
0xb1: {  	[dreg:$0x4] =	wrdreg $0xC0  }
0xb2: {  	_ =	task [dreg:s9], $0x5FFFF  }
0xb3: {  	[dreg:$0x1] =	wrdreg $0xFFFFFFFF  }
0xb4: {  	[dreg:$0x0] =	wrdreg $0x60  }
0xb5: {  	[dreg:$0x2] =	wrdreg s4  }
0xb6: {  	[dreg:$0x3] =	wrdreg s16  }
0xb7: {  	[dreg:$0x4] =	wrdreg s17  }
0xb8: {  	[dreg:$0x5] =	wrdreg $0x9  }
0xb9: {  	_ =	task.clear_ibuf [dreg:s9], $0x6FFFF;
	_ =	strace $0x90000046  }
0xba: {  	s29 =	simm.s32 $0x9;
	_ =	strace $0x80000048  }
0xbb: {  	_ =	swait.ge [sflag:s29], $0x1  }
0xbc: {  	[sflag:s29] =	ssyncadd.s32 $0xFFFFFFFF  }
0xbd: {  	_ =	strace $0x90000048  }
0xbe: {  	_ =	sfence  }
0xbf: {  	s30 =	sld [smem:$0x0];
	_ =	sdelay $0x2  }
0xc0: {  	s31 =	sshll.u32 s1, $0xD;
	s1 =	sshrl.u32 s1, $0x2  }
0xc1: {  	s3 =	sand.u32 $0x4000, s31;
	s1 =	sadd.s32 s1, s30  }
0xc2: {  	s0 =	sor.u32 s3, s0;
	s1 =	sshll.u32 s1, $0x11  }
0xc3: {  	s0 =	sor.u32 s1, s0  }
0xc4: {  	s0 =	sadd.s32 $0x8F2B, s0  }
0xc5: {  	[sflag:s0] =	ssyncadd.remote.s32 $0x1  }
0xc6: {  	_ =	sfence.sel $0xFFFF  }
0xc7: {  	[dreg:$0x0] =	wrdreg $0xFFFFFFFF;
	(pc) =	sbr.abs _section_cstart, $3  }
0xc8: {  	[dreg:$0x1] =	wrdreg $0xFFFFFFFF  }
0xc9: {  	_ =	task.clear_ibuf [dreg:s9], $0x2FFFF;
	_ =	strace $0x9FFFFFFF  }
0xca: {  	(tm) =	ssettm $0x7FFFFFFF  }
0xcb: {  	_ =	shalt  }
tec
execute0_lowered:
.L_overlay_start_1:
0x0: {  	(tag) =	ssettag $0x1  }
0x1: {  	s1 =	rddreg [dreg:$0x0]  }
0x2: {  	s4 =	rddreg [dreg:$0x1]  }
0x3: {  	s6 =	rddreg [dreg:$0x2];
	s3 =	srdreg.scid  }
0x4: {  	s0 =	rddreg [dreg:$0x3];
	s2 =	stileid.u32;
	s10 =	simm.s32 $0x880  }
0x5: {  	s11 =	simm.s32 $0x1080;
	s12 =	simm.s32 $0x1880;
	s13 =	simm.s32 $0x2080  }
0x6: {  	s14 =	simm.s32 $0x2880;
	s15 =	simm.s32 $0x3080;
	s16 =	simm.s32 $0x3880  }
0x7: {  	s17 =	simm.s32 $0x4080;
	s18 =	simm.s32 $0x4880;
	s19 =	simm.s32 $0x5080  }
0x8: {  	s20 =	simm.s32 $0x5880;
	s21 =	simm.s32 $0x6080;
	s22 =	simm.s32 $0x6880  }
0x9: {  	s23 =	simm.s32 $0x7080;
	s24 =	simm.s32 $0x7880;
	s25 =	simm.s32 $0x1  }
0xa: {  	s5 =	sand.u32 $0x1, s3;
	s3 =	simm.s32 $0x0;
	s7 =	sshll.u32 s2, $0x7  }
0xb: {  	s8 =	sshll.u32 s5, $0x6;
	[smem:$0x7FF] =	sst s3;
	s5 =	ssub.s32 $0x2, s5  }
0xc: {  	s7 =	sor.u32 s8, s7;
	_ =	strace $0x80000047;
	s31 =	sshrl.u32 s5, $0x1  }
0xd: {  	v2 =	vlaneseq.u32;
	s9 =	sshrl.u32 s7, $0x3;
	s8 =	ssub.s32 s5, s31;
	s7 =	sshll.u32 s7, $0x6  }
0xe: {  	vm0 =	vmmov $0xffff;
	v1 =	vshrl.u32 v2, $0x3;
	s5 =	sadd.s32 $0x100, s1;
	s4 =	sadd.s32 s4, s9;
	s6 =	sadd.s32 s6, s7  }
0xf: {  	v0 =	vand.u32 $0x7, v2;
	v2 =	vor.u32 $0x8, v2;
	v1 =	vmul.u32 $0x8, v1;
	s7 =	smax.u32 s8, $0x1;
	s8 =	simm.s32 $0x2;
	s9 =	simm.s32 $0x80  }
.LBB2_1:
0x10: {  	[tilespmem:s3], [sflag:$0x2] =	stream.linear.gather [hbm4b:s4+s3], $0x40, $0x38;
	[tilespmem:$0x8080] =	vst v63  }
0x11: {  	_ =	swait.ge [sflag:s8], $0x40  }
0x12: {  	[sflag:s8] =	ssyncset.done $0x0  }
0x13: {  	[sflag:s8] =	ssyncadd.s32 $0xFFFFFFC0  }
0x14: {  	v3 =	vld [tilespmem:$0x0];
	_ =	sdelay $0x4  }
0x15: {  	v4 =	vshll.u32 v3, $0x2  }
0x16: {  	v3 =	vand.u32 $0x7, v3;
	v4 =	vand.u32 $0xFFFFFFE0, v4  }
0x17: {  	v3 =	vor.u32 v3, v4  }
0x18: {  	v4 =	vperm.xlane v3, v0;
	_ =	sdelay $0x1  }
0x19: {  	v4 =	vadd.s32 v1, v4;
	_ =	sdelay $0x1  }
0x1a: {  	v3 =	vperm.xlane v3, v2;
	_ =	sdelay $0x1  }
0x1b: {  	v3 =	vadd.s32 v1, v3  }
0x1c: {  	[tilespmem:s9], [sflag:$0x1] =	stream.indirect_vreg.gather [hbm4b:s1+s3], $0x80, v4, vm0, $0xb8;
	[tilespmem:$0x8080] =	vst v63  }
0x1d: {  	_ = 	snop  }
0x1e: {  	[tilespmem:s10], [sflag:$0x1] =	stream.indirect_vreg.gather [hbm4b:s5+s3], $0x80, v4, vm0, $0xb8;
	[tilespmem:$0x8080] =	vst v63  }
0x1f: {  	_ = 	snop  }
0x20: {  	[tilespmem:s11], [sflag:$0x1] =	stream.indirect_vreg.gather [hbm4b:s1+s3], $0x80, v3, vm0, $0xb8;
	[tilespmem:$0x8080] =	vst v63  }
0x21: {  	_ = 	snop  }
0x22: {  	[tilespmem:s12], [sflag:$0x1] =	stream.indirect_vreg.gather [hbm4b:s5+s3], $0x80, v3, vm0, $0xb8;
	[tilespmem:$0x8080] =	vst v63  }
0x23: {  	v3 =	vld [tilespmem:$0x10];
	_ =	sdelay $0x4  }
0x24: {  	v61 =	vshll.u32 v3, $0x2  }
0x25: {  	v3 =	vand.u32 $0x7, v3;
	v4 =	vand.u32 $0xFFFFFFE0, v61  }
0x26: {  	v3 =	vor.u32 v3, v4  }
0x27: {  	v4 =	vperm.xlane v3, v0;
	_ =	sdelay $0x1  }
0x28: {  	v4 =	vadd.s32 v1, v4;
	_ =	sdelay $0x1  }
0x29: {  	v3 =	vperm.xlane v3, v2;
	_ =	sdelay $0x1  }
0x2a: {  	v3 =	vadd.s32 v1, v3  }
0x2b: {  	[tilespmem:s13], [sflag:$0x1] =	stream.indirect_vreg.gather [hbm4b:s1+s3], $0x80, v4, vm0, $0xb8;
	[tilespmem:$0x8080] =	vst v63  }
0x2c: {  	_ = 	snop  }
0x2d: {  	[tilespmem:s14], [sflag:$0x1] =	stream.indirect_vreg.gather [hbm4b:s5+s3], $0x80, v4, vm0, $0xb8;
	[tilespmem:$0x8080] =	vst v63  }
0x2e: {  	_ = 	snop  }
0x2f: {  	[tilespmem:s15], [sflag:$0x1] =	stream.indirect_vreg.gather [hbm4b:s1+s3], $0x80, v3, vm0, $0xb8;
	[tilespmem:$0x8080] =	vst v63  }
0x30: {  	_ = 	snop  }
0x31: {  	[tilespmem:s16], [sflag:$0x1] =	stream.indirect_vreg.gather [hbm4b:s5+s3], $0x80, v3, vm0, $0xb8;
	[tilespmem:$0x8080] =	vst v63  }
0x32: {  	v3 =	vld [tilespmem:$0x20];
	_ =	sdelay $0x4  }
0x33: {  	v62 =	vshll.u32 v3, $0x2  }
0x34: {  	v3 =	vand.u32 $0x7, v3;
	v4 =	vand.u32 $0xFFFFFFE0, v62  }
0x35: {  	v3 =	vor.u32 v3, v4  }
0x36: {  	v4 =	vperm.xlane v3, v0;
	_ =	sdelay $0x1  }
0x37: {  	v4 =	vadd.s32 v1, v4;
	_ =	sdelay $0x1  }
0x38: {  	v3 =	vperm.xlane v3, v2;
	_ =	sdelay $0x1  }
0x39: {  	v3 =	vadd.s32 v1, v3  }
0x3a: {  	[tilespmem:s17], [sflag:$0x1] =	stream.indirect_vreg.gather [hbm4b:s1+s3], $0x80, v4, vm0, $0xb8;
	[tilespmem:$0x8080] =	vst v63  }
0x3b: {  	_ = 	snop  }
0x3c: {  	[tilespmem:s18], [sflag:$0x1] =	stream.indirect_vreg.gather [hbm4b:s5+s3], $0x80, v4, vm0, $0xb8;
	[tilespmem:$0x8080] =	vst v63  }
0x3d: {  	_ = 	snop  }
0x3e: {  	[tilespmem:s19], [sflag:$0x1] =	stream.indirect_vreg.gather [hbm4b:s1+s3], $0x80, v3, vm0, $0xb8;
	[tilespmem:$0x8080] =	vst v63  }
0x3f: {  	_ = 	snop  }
0x40: {  	[tilespmem:s20], [sflag:$0x1] =	stream.indirect_vreg.gather [hbm4b:s5+s3], $0x80, v3, vm0, $0xb8;
	[tilespmem:$0x8080] =	vst v63  }
0x41: {  	v3 =	vld [tilespmem:$0x30];
	_ =	sdelay $0x4  }
0x42: {  	v63 =	vshll.u32 v3, $0x2  }
0x43: {  	v3 =	vand.u32 $0x7, v3;
	v4 =	vand.u32 $0xFFFFFFE0, v63  }
0x44: {  	v3 =	vor.u32 v3, v4  }
0x45: {  	v4 =	vperm.xlane v3, v0;
	_ =	sdelay $0x1  }
0x46: {  	v4 =	vadd.s32 v1, v4;
	_ =	sdelay $0x1  }
0x47: {  	v3 =	vperm.xlane v3, v2;
	_ =	sdelay $0x1  }
0x48: {  	v3 =	vadd.s32 v1, v3  }
0x49: {  	[tilespmem:s21], [sflag:$0x1] =	stream.indirect_vreg.gather [hbm4b:s1+s3], $0x80, v4, vm0, $0xb8;
	[tilespmem:$0x8080] =	vst v63  }
0x4a: {  	_ = 	snop  }
0x4b: {  	[tilespmem:s22], [sflag:$0x1] =	stream.indirect_vreg.gather [hbm4b:s5+s3], $0x80, v4, vm0, $0xb8;
	[tilespmem:$0x8080] =	vst v63  }
0x4c: {  	_ = 	snop  }
0x4d: {  	[tilespmem:s23], [sflag:$0x1] =	stream.indirect_vreg.gather [hbm4b:s1+s3], $0x80, v3, vm0, $0xb8;
	[tilespmem:$0x8080] =	vst v63  }
0x4e: {  	_ = 	snop  }
0x4f: {  	[tilespmem:s24], [sflag:$0x1] =	stream.indirect_vreg.gather [hbm4b:s5+s3], $0x80, v3, vm0, $0xb8;
	[tilespmem:$0x8080] =	vst v63  }
0x50: {  	_ =	swait.ge [sflag:s25], $0x8000  }
0x51: {  	p0 =	sne.s32 s7, $0x1;
	[sflag:s25] =	ssyncset.done $0x0  }
.Ltmp0:
0x52: {  	[sflag:s25] =	ssyncadd.s32 $0xFFFF8000;
	(pc) =	sbr.rel @p0 .LBB2_1-.Ltmp0, $4  }
0x53: {  	[hbm4b:s6+s3] =	stream.linear.scatter [tilespmem:s9], [sflag:$0x2], $0x8000, $0x38;
	[tilespmem:$0x8080] =	vst v63  }
0x54: {  	_ =	swait.ge [sflag:s8], $0x8000  }
0x55: {  	[sflag:s8] =	ssyncset.done $0x0  }
0x56: {  	s7 =	sadd.s32 $0xFFFFFFFF, s7;
	[sflag:s8] =	ssyncadd.s32 $0xFFFF8000  }
0x57: {  	_ =	sfence.sel $0x180000  }
0x58: {  	[bflag:$0x0] =	sbarrier.arrive $0xFFFF  }
0x59: {  	p0 =	sne.s32 s2, $0x0;
	_ =	strace $0x90000047  }
0x5a: {  	s0 =	sadd.s32 @!p0 $0x100000, s0;
	[bflag:$0x2] =	sbarrier.arrive $0xFFFF  }
0x5b: {  	[sflag:s0] =	ssyncadd.tile.s32 @!p0 $0x1;
	_ =	shalt  }
.Lfunc_end2:
_tile_overlayer_lowered:
.L_overlay_start_2:
0x5c: {  	(tag) =	ssettag $0x2  }
0x5d: {  	s0 =	rddreg [dreg:$0x0];
	s2 =	stileid.u32  }
0x5e: {  	s1 =	rddreg [dreg:$0x1];
	p0 =	sne.s32 s2, $0x0  }
0x5f: {  	s3 =	rddreg [dreg:$0x2];
	[bflag:$0x3] =	sbarrier.arrive $0xFFFF;
	s2 =	simm.s32 @!p0 $0x1C02  }
0x60: {  	[timem:s3], [sflag:s2] =	dma.local @!p0 [hbm:s0], s1  }
0x61: {  	s0 =	simm.s32 @!p0 $0x2  }
0x62: {  	_ =	swait.ge @!p0 [sflag:s0], s1  }
0x63: {  	s1 =	ssub.s32 @!p0 $0x0, s1;
	[sflag:s0] =	ssyncset.done @!p0 $0x0  }
0x64: {  	[sflag:s0] =	ssyncadd.s32 @!p0 s1  }
0x65: {  	[bflag:$0x3] =	sbarrier.arrive $0xFFFF  }
0x66: {  	_ =	shalt  }

</sc_bundles>
